<compile_context>
chip_gen: v7x
topology: tpu7x:2x2x1
jax: 0.10.2.dev20260603
libtpu: 0.0.44.dev20260713+nightly
codegen_flags: <defaults>
</compile_context>

<pallas_src>
import functools

import jax
import jax.numpy as jnp
from jax import lax
from jax.experimental import pallas as pl
from jax.experimental.pallas import tpu as pltpu
from jax.experimental.pallas import tpu_sc as plsc

TA, TB = 8192, 8192
T = TA + TB
B = 16
DF = 64
D = 512
H = 2048
NA = 32
NACT = 4096

R = 2048
NBLK = T // R
HALF = TA // R

NC, NS = 2, 16
NW = NC * NS
APW = NACT // NW

_BF = jnp.bfloat16
_F32 = jnp.float32


def _dot(a, b):
    return jnp.dot(a, b, preferred_element_type=_F32)


def _dense_body(ent_ref, wemb_ref, bidx_ref, w1_ref, w2_ref, wh_ref, waux_ref,
                logp_ref, ent_out_ref, aux_ref, sums_ref, cnt_ref):
    i = pl.program_id(0)
    e = ent_ref[...]
    x0 = jnp.maximum(_dot(e, wemb_ref[0]), 0.0)
    x0b = x0.astype(_BF)
    HC = H // 4
    x = x0
    for c in range(4):
        hc = jnp.maximum(_dot(x0b, w1_ref[:, c * HC:(c + 1) * HC]), 0.0)
        x = x + _dot(hc.astype(_BF), w2_ref[c * HC:(c + 1) * HC, :])

    xhi = x.astype(_BF)
    logits = _dot(xhi, wh_ref[...])
    ex = jnp.exp(logits)
    s = jnp.sum(ex, axis=-1, keepdims=True)
    ls = jnp.log(s)
    logp_ref[...] = logits - ls
    ent_out_ref[...] = ls - jnp.sum(ex * logits, axis=-1, keepdims=True) / s

    xlo = (x - xhi.astype(_F32)).astype(_BF)
    bidx = bidx_ref[0, 0, :]
    oh = (lax.broadcasted_iota(jnp.int32, (B, R), 0) == bidx[None, :]
          ).astype(_BF)
    part = _dot(oh, xhi) + _dot(oh, xlo)
    cnt = jnp.sum(oh.astype(_F32), axis=1, keepdims=True)

    @pl.when(i == 0)
    def _():
        sums_ref[...] = part
        cnt_ref[...] = cnt

    @pl.when(i > 0)
    def _():
        sums_ref[...] += part
        cnt_ref[...] += cnt

    @pl.when(i == NBLK - 1)
    def _():
        pooled = sums_ref[...] / jnp.maximum(cnt_ref[...], 1.0)
        aux_ref[...] = _dot(pooled.astype(_BF), waux_ref[...].astype(_BF))


_dense_call = pl.pallas_call(
    _dense_body,
    grid=(NBLK,),
    in_specs=[
        pl.BlockSpec((R, DF), lambda i: (i, 0)),
        pl.BlockSpec((1, DF, D), lambda i: (i // HALF, 0, 0)),
        pl.BlockSpec((1, 1, R), lambda i: (i, 0, 0)),
        pl.BlockSpec((D, H), lambda i: (0, 0)),
        pl.BlockSpec((H, D), lambda i: (0, 0)),
        pl.BlockSpec((D, NA), lambda i: (0, 0)),
        pl.BlockSpec((D, 1), lambda i: (0, 0)),
    ],
    out_specs=[
        pl.BlockSpec((R, NA), lambda i: (i, 0)),
        pl.BlockSpec((R, 1), lambda i: (i, 0)),
        pl.BlockSpec((B, 1), lambda i: (0, 0)),
    ],
    out_shape=[
        jax.ShapeDtypeStruct((T, NA), jnp.float32),
        jax.ShapeDtypeStruct((T, 1), jnp.float32),
        jax.ShapeDtypeStruct((B, 1), jnp.float32),
    ],
    scratch_shapes=[
        pltpu.VMEM((B, D), jnp.float32),
        pltpu.VMEM((B, 1), jnp.float32),
    ],
)


@functools.cache
def _make_sc_gather():
    @functools.partial(
        pl.kernel,
        mesh=plsc.VectorSubcoreMesh(core_axis_name="c", subcore_axis_name="s"),
        out_type=[
            jax.ShapeDtypeStruct((NACT,), jnp.float32),
            jax.ShapeDtypeStruct((NACT,), jnp.float32),
        ],
        scratch_types=[
            pltpu.VMEM((APW,), jnp.int32),
            pltpu.VMEM((APW,), jnp.int32),
            pltpu.VMEM((APW,), jnp.int32),
            pltpu.VMEM((APW,), jnp.int32),
            pltpu.VMEM((APW,), jnp.float32),
            pltpu.VMEM((APW,), jnp.float32),
            pltpu.SemaphoreType.DMA,
        ],
    )
    def _sc_gather(imap_hbm, actors_hbm, prev_hbm, logp_hbm, ent_hbm,
                   lp_out, ent_out,
                   act_v, prev_v, idx_v, flat_v, lp_v, ent_v, sem):
        wid = lax.axis_index("s") * NC + lax.axis_index("c")
        base = wid * APW
        pltpu.sync_copy(actors_hbm.at[pl.ds(base, APW)], act_v)
        pltpu.sync_copy(prev_hbm.at[pl.ds(base, APW)], prev_v)
        pltpu.async_copy(imap_hbm.at[act_v], idx_v, sem).wait()
        for j in range(APW // 16):
            sl = pl.ds(j * 16, 16)
            flat_v[sl] = idx_v[sl] * NA + prev_v[sl]
        pltpu.async_copy(logp_hbm.at[flat_v], lp_v, sem).wait()
        pltpu.async_copy(ent_hbm.at[idx_v], ent_v, sem).wait()
        pltpu.sync_copy(lp_v, lp_out.at[pl.ds(base, APW)])
        pltpu.sync_copy(ent_v, ent_out.at[pl.ds(base, APW)])

    return _sc_gather


def kernel(entity_a, entity_b, Wa, ba, Wb, bb, W1, b1, W2, b2, Wh, bh,
           Waux, baux, index_map, batch_index, actors, prev_actions):
    ent = jnp.concatenate([entity_a, entity_b], axis=0).astype(_BF)
    wemb = jnp.stack([Wa, Wb], axis=0).astype(_BF)
    logp, ent_rows, aux = _dense_call(
        ent, wemb,
        batch_index.reshape(NBLK, 1, R).astype(jnp.int32),
        W1.astype(_BF), W2.astype(_BF), Wh.astype(_BF), Waux,
    )
    log_prob, entropy = _make_sc_gather()(
        index_map.astype(jnp.int32), actors.astype(jnp.int32),
        prev_actions.astype(jnp.int32),
        logp.reshape(T * NA), ent_rows.reshape(T),
    )
    return (log_prob, entropy, aux)

# --- scband reference (transcript-rebuilt; emitter-appended) ---
"""Pipeline reference for scband-actor-69630009803232 (READ-ONLY COPY).

The authoritative reference and input builder live on the scoring server;
editing this copy changes nothing except your own understanding.
"""

import jax, jax.numpy as jnp
import numpy as np

TA, TB = 8192, 8192
T = TA + TB
B = 16
DF = 64
D = 512
H = 2048
NA = 32
NACT = 4096


def setup_inputs(seed: int = 0) -> dict:
    key = jax.random.key(seed)
    ks = jax.random.split(key, 20)
    entity_a = jax.random.normal(ks[0], (TA, DF), jnp.float32)
    entity_b = jax.random.normal(ks[1], (TB, DF), jnp.float32)
    Wa = jax.random.normal(ks[2], (DF, D), jnp.float32) * 0.05
    ba = jnp.zeros((D,), jnp.float32)
    Wb = jax.random.normal(ks[3], (DF, D), jnp.float32) * 0.05
    bb = jnp.zeros((D,), jnp.float32)
    W1 = jax.random.normal(ks[4], (D, H), jnp.float32) * 0.02
    b1 = jnp.zeros((H,), jnp.float32)
    W2 = jax.random.normal(ks[5], (H, D), jnp.float32) * 0.02
    b2 = jnp.zeros((D,), jnp.float32)
    Wh = jax.random.normal(ks[6], (D, NA), jnp.float32) * 0.05
    bh = jnp.zeros((NA,), jnp.float32)
    Waux = jax.random.normal(ks[7], (D, 1), jnp.float32) * 0.05
    baux = jnp.zeros((1,), jnp.float32)
    index_map = jax.random.permutation(ks[8], T)
    batch_index = jnp.sort(jax.random.randint(ks[9], (T,), 0, B))
    actors = jax.random.randint(ks[10], (NACT,), 0, T)
    prev_actions = jax.random.randint(ks[11], (NACT,), 0, NA)
    return {
        'entity_a': entity_a, 'entity_b': entity_b,
        'Wa': Wa, 'ba': ba, 'Wb': Wb, 'bb': bb,
        'W1': W1, 'b1': b1, 'W2': W2, 'b2': b2,
        'Wh': Wh, 'bh': bh, 'Waux': Waux, 'baux': baux,
        'index_map': index_map, 'batch_index': batch_index,
        'actors': actors, 'prev_actions': prev_actions,
    }


def reference(entity_a, entity_b, Wa, ba, Wb, bb, W1, b1, W2, b2, Wh, bh, Waux, baux, index_map, batch_index, actors, prev_actions):
    # per-entity-type embedding (batch_and_embed), concatenated type-major
    ea = jax.nn.relu(entity_a @ Wa + ba)
    eb = jax.nn.relu(entity_b @ Wb + bb)
    x = jnp.concatenate([ea, eb], axis=0)
    # backbone (residual MLP)
    h = jax.nn.relu(x @ W1 + b1)
    x = x + h @ W2 + b2
    # gather actor embeddings: x[index_map[actors]]
    actor_embeds = x[index_map[actors]]
    # action head + Categorical log_prob / entropy
    logits = actor_embeds @ Wh + bh
    logp = jax.nn.log_softmax(logits, axis=-1)
    log_prob = jnp.take_along_axis(logp, prev_actions[:, None], axis=1)[:, 0]
    entropy = -jnp.sum(jnp.exp(logp) * logp, axis=-1)
    # auxiliary head on scatter-mean pooled embeddings
    sums = jax.ops.segment_sum(x, batch_index, num_segments=B)
    counts = jax.ops.segment_sum(jnp.ones((x.shape[0], 1), x.dtype), batch_index, num_segments=B)
    pooled = sums / jnp.maximum(counts, 1.0)
    aux = pooled @ Waux + baux
    return (log_prob, entropy, aux)

if __name__ == "__main__":
    import jax
    _d = setup_inputs()
    print(jax.jit(kernel)(*tuple(_d.values())))

</pallas_src>

<mosaic_0001>
#map = affine_map<(d0, d1) -> (0)>
module attributes {stable_mosaic.version = 14 : i64} {
  func.func @_sc_gather(%arg0: i32, %arg1: i32, %arg2: memref<16384xi32, #tpu.memory_space<hbm>>, %arg3: memref<4096xi32, #tpu.memory_space<hbm>>, %arg4: memref<4096xi32, #tpu.memory_space<hbm>>, %arg5: memref<524288xf32, #tpu.memory_space<hbm>>, %arg6: memref<16384xf32, #tpu.memory_space<hbm>>, %arg7: memref<4096xf32, #tpu.memory_space<hbm>>, %arg8: memref<4096xf32, #tpu.memory_space<hbm>>, %arg9: memref<128xi32, #tpu.memory_space<vmem>>, %arg10: memref<128xi32, #tpu.memory_space<vmem>>, %arg11: memref<128xi32, #tpu.memory_space<vmem>>, %arg12: memref<128xi32, #tpu.memory_space<vmem>>, %arg13: memref<128xf32, #tpu.memory_space<vmem>>, %arg14: memref<128xf32, #tpu.memory_space<vmem>>, %arg15: memref<!tpu.dma_semaphore, #tpu.memory_space<semaphore_mem>>) attributes {dimension_semantics = [#tpu.dimension_semantics<core_parallel>, #tpu.dimension_semantics<subcore_parallel>], iteration_bounds = array<i64: 2, 16>, scalar_prefetch = 0 : i64, scratch_operands = 7 : i64, tpu.core_type = #tpu.core_type<sc_vector_subcore>, window_params = [{transform_indices = #map}, {transform_indices = #map}, {transform_indices = #map}, {transform_indices = #map}, {transform_indices = #map}, {transform_indices = #map}, {transform_indices = #map}]} {
    %mul3A = arith.constant 2 : i32
    %mul3A_0 = arith.muli %arg1, %mul3A : i32
    %add3A = arith.addi %mul3A_0, %arg0 : i32
    %mul3A_1 = arith.constant 128 : i32
    %mul3A_2 = arith.muli %add3A, %mul3A_1 : i32
    "tpu.region"() ({
      %run_scoped3A = tpu.sem_alloc : memref<!tpu.dma_semaphore, #tpu.memory_space<semaphore_mem>>
      %dma_start3A_123 = tpu.memref_slice %arg3[%mul3A_2] : memref<4096xi32, #tpu.memory_space<hbm>> -> memref<128xi32, #tpu.memory_space<hbm>>
      %dma_start3A_124 = tpu.memref_slice %arg3[%mul3A_2] : memref<4096xi32, #tpu.memory_space<hbm>> -> memref<128xi32, #tpu.memory_space<hbm>>
      tpu.enqueue_dma source(%dma_start3A_124 : memref<128xi32, #tpu.memory_space<hbm>>) target(%arg9 : memref<128xi32, #tpu.memory_space<vmem>>) target_semaphore(%run_scoped3A : memref<!tpu.dma_semaphore, #tpu.memory_space<semaphore_mem>>)
      %dma_wait3A_125 = tpu.memref_slice %arg3[%mul3A_2] : memref<4096xi32, #tpu.memory_space<hbm>> -> memref<128xi32, #tpu.memory_space<hbm>>
      %dma_wait3A_126 = tpu.memref_slice %arg3[%mul3A_2] : memref<4096xi32, #tpu.memory_space<hbm>> -> memref<128xi32, #tpu.memory_space<hbm>>
      tpu.wait_dma2 semaphore(%run_scoped3A : memref<!tpu.dma_semaphore, #tpu.memory_space<semaphore_mem>>) src(%dma_wait3A_126 : memref<128xi32, #tpu.memory_space<hbm>>) dst(%arg9 : memref<128xi32, #tpu.memory_space<vmem>>)
      tpu.yield
    }) : () -> ()
    "tpu.region"() ({
      %run_scoped3A = tpu.sem_alloc : memref<!tpu.dma_semaphore, #tpu.memory_space<semaphore_mem>>
      %dma_start3A_123 = tpu.memref_slice %arg4[%mul3A_2] : memref<4096xi32, #tpu.memory_space<hbm>> -> memref<128xi32, #tpu.memory_space<hbm>>
      %dma_start3A_124 = tpu.memref_slice %arg4[%mul3A_2] : memref<4096xi32, #tpu.memory_space<hbm>> -> memref<128xi32, #tpu.memory_space<hbm>>
      tpu.enqueue_dma source(%dma_start3A_124 : memref<128xi32, #tpu.memory_space<hbm>>) target(%arg10 : memref<128xi32, #tpu.memory_space<vmem>>) target_semaphore(%run_scoped3A : memref<!tpu.dma_semaphore, #tpu.memory_space<semaphore_mem>>)
      %dma_wait3A_125 = tpu.memref_slice %arg4[%mul3A_2] : memref<4096xi32, #tpu.memory_space<hbm>> -> memref<128xi32, #tpu.memory_space<hbm>>
      %dma_wait3A_126 = tpu.memref_slice %arg4[%mul3A_2] : memref<4096xi32, #tpu.memory_space<hbm>> -> memref<128xi32, #tpu.memory_space<hbm>>
      tpu.wait_dma2 semaphore(%run_scoped3A : memref<!tpu.dma_semaphore, #tpu.memory_space<semaphore_mem>>) src(%dma_wait3A_126 : memref<128xi32, #tpu.memory_space<hbm>>) dst(%arg10 : memref<128xi32, #tpu.memory_space<vmem>>)
      tpu.yield
    }) : () -> ()
    %dma_start3A = arith.constant 0 : i32
    %dma_start3A_3 = tpu.memref_slice %arg2[%dma_start3A] : memref<16384xi32, #tpu.memory_space<hbm>> -> memref<16384xi32, #tpu.memory_space<hbm>>
    tpu.enqueue_indirect_dma source(%dma_start3A_3 : memref<16384xi32, #tpu.memory_space<hbm>>) target(%arg11 : memref<128xi32, #tpu.memory_space<vmem>>) offsets(%arg9 : memref<128xi32, #tpu.memory_space<vmem>>) semaphore(%arg15 : memref<!tpu.dma_semaphore, #tpu.memory_space<semaphore_mem>>)
    %dma_wait3A = arith.constant 0 : i32
    %dma_wait3A_4 = tpu.memref_slice %arg2[%dma_wait3A] : memref<16384xi32, #tpu.memory_space<hbm>> -> memref<16384xi32, #tpu.memory_space<hbm>>
    tpu.wait_indirect_dma semaphore(%arg15 : memref<!tpu.dma_semaphore, #tpu.memory_space<semaphore_mem>>) src(%dma_wait3A_4 : memref<16384xi32, #tpu.memory_space<hbm>>) dst(%arg11 : memref<128xi32, #tpu.memory_space<vmem>>)
    %get3A = arith.constant 0 : index
    %get3A_5 = tpu.vector_load %arg11[%get3A] {strides = array<i32>} : memref<128xi32, #tpu.memory_space<vmem>>, vector<16xi32>,
    %get3A_6 = vector.shape_cast %get3A_5 : vector<16xi32> to vector<16xi32>
    %mul3A_7 = arith.constant 32 : i32
    %mul3A_8 = vector.broadcast %mul3A_7 : i32 to vector<16xi32>
    %mul3A_9 = arith.muli %get3A_6, %mul3A_8 : vector<16xi32>
    %get3A_10 = arith.constant 0 : index
    %get3A_11 = tpu.vector_load %arg10[%get3A_10] {strides = array<i32>} : memref<128xi32, #tpu.memory_space<vmem>>, vector<16xi32>,
    %get3A_12 = vector.shape_cast %get3A_11 : vector<16xi32> to vector<16xi32>
    %add3A_13 = arith.addi %mul3A_9, %get3A_12 : vector<16xi32>
    %swap3A = arith.constant 0 : index
    %swap3A_14 = tpu.vector_load %arg12[%swap3A] {strides = array<i32>} : memref<128xi32, #tpu.memory_space<vmem>>, vector<16xi32>,
    %swap3A_15 = vector.shape_cast %swap3A_14 : vector<16xi32> to vector<16xi32>
    %swap3A_16 = vector.shape_cast %add3A_13 : vector<16xi32> to vector<16xi32>
    tpu.vector_store %arg12[%swap3A], %swap3A_16 {strides = array<i32>} : memref<128xi32, #tpu.memory_space<vmem>>, vector<16xi32>,
    %get3A_17 = arith.constant 16 : index
    %get3A_18 = tpu.vector_load %arg11[%get3A_17] {strides = array<i32>} : memref<128xi32, #tpu.memory_space<vmem>>, vector<16xi32>,
    %get3A_19 = vector.shape_cast %get3A_18 : vector<16xi32> to vector<16xi32>
    %mul3A_20 = arith.constant 32 : i32
    %mul3A_21 = vector.broadcast %mul3A_20 : i32 to vector<16xi32>
    %mul3A_22 = arith.muli %get3A_19, %mul3A_21 : vector<16xi32>
    %get3A_23 = arith.constant 16 : index
    %get3A_24 = tpu.vector_load %arg10[%get3A_23] {strides = array<i32>} : memref<128xi32, #tpu.memory_space<vmem>>, vector<16xi32>,
    %get3A_25 = vector.shape_cast %get3A_24 : vector<16xi32> to vector<16xi32>
    %add3A_26 = arith.addi %mul3A_22, %get3A_25 : vector<16xi32>
    %swap3A_27 = arith.constant 16 : index
    %swap3A_28 = tpu.vector_load %arg12[%swap3A_27] {strides = array<i32>} : memref<128xi32, #tpu.memory_space<vmem>>, vector<16xi32>,
    %swap3A_29 = vector.shape_cast %swap3A_28 : vector<16xi32> to vector<16xi32>
    %swap3A_30 = vector.shape_cast %add3A_26 : vector<16xi32> to vector<16xi32>
    tpu.vector_store %arg12[%swap3A_27], %swap3A_30 {strides = array<i32>} : memref<128xi32, #tpu.memory_space<vmem>>, vector<16xi32>,
    %get3A_31 = arith.constant 32 : index
    %get3A_32 = tpu.vector_load %arg11[%get3A_31] {strides = array<i32>} : memref<128xi32, #tpu.memory_space<vmem>>, vector<16xi32>,
    %get3A_33 = vector.shape_cast %get3A_32 : vector<16xi32> to vector<16xi32>
    %mul3A_34 = arith.constant 32 : i32
    %mul3A_35 = vector.broadcast %mul3A_34 : i32 to vector<16xi32>
    %mul3A_36 = arith.muli %get3A_33, %mul3A_35 : vector<16xi32>
    %get3A_37 = arith.constant 32 : index
    %get3A_38 = tpu.vector_load %arg10[%get3A_37] {strides = array<i32>} : memref<128xi32, #tpu.memory_space<vmem>>, vector<16xi32>,
    %get3A_39 = vector.shape_cast %get3A_38 : vector<16xi32> to vector<16xi32>
    %add3A_40 = arith.addi %mul3A_36, %get3A_39 : vector<16xi32>
    %swap3A_41 = arith.constant 32 : index
    %swap3A_42 = tpu.vector_load %arg12[%swap3A_41] {strides = array<i32>} : memref<128xi32, #tpu.memory_space<vmem>>, vector<16xi32>,
    %swap3A_43 = vector.shape_cast %swap3A_42 : vector<16xi32> to vector<16xi32>
    %swap3A_44 = vector.shape_cast %add3A_40 : vector<16xi32> to vector<16xi32>
    tpu.vector_store %arg12[%swap3A_41], %swap3A_44 {strides = array<i32>} : memref<128xi32, #tpu.memory_space<vmem>>, vector<16xi32>,
    %get3A_45 = arith.constant 48 : index
    %get3A_46 = tpu.vector_load %arg11[%get3A_45] {strides = array<i32>} : memref<128xi32, #tpu.memory_space<vmem>>, vector<16xi32>,
    %get3A_47 = vector.shape_cast %get3A_46 : vector<16xi32> to vector<16xi32>
    %mul3A_48 = arith.constant 32 : i32
    %mul3A_49 = vector.broadcast %mul3A_48 : i32 to vector<16xi32>
    %mul3A_50 = arith.muli %get3A_47, %mul3A_49 : vector<16xi32>
    %get3A_51 = arith.constant 48 : index
    %get3A_52 = tpu.vector_load %arg10[%get3A_51] {strides = array<i32>} : memref<128xi32, #tpu.memory_space<vmem>>, vector<16xi32>,
    %get3A_53 = vector.shape_cast %get3A_52 : vector<16xi32> to vector<16xi32>
    %add3A_54 = arith.addi %mul3A_50, %get3A_53 : vector<16xi32>
    %swap3A_55 = arith.constant 48 : index
    %swap3A_56 = tpu.vector_load %arg12[%swap3A_55] {strides = array<i32>} : memref<128xi32, #tpu.memory_space<vmem>>, vector<16xi32>,
    %swap3A_57 = vector.shape_cast %swap3A_56 : vector<16xi32> to vector<16xi32>
    %swap3A_58 = vector.shape_cast %add3A_54 : vector<16xi32> to vector<16xi32>
    tpu.vector_store %arg12[%swap3A_55], %swap3A_58 {strides = array<i32>} : memref<128xi32, #tpu.memory_space<vmem>>, vector<16xi32>,
    %get3A_59 = arith.constant 64 : index
    %get3A_60 = tpu.vector_load %arg11[%get3A_59] {strides = array<i32>} : memref<128xi32, #tpu.memory_space<vmem>>, vector<16xi32>,
    %get3A_61 = vector.shape_cast %get3A_60 : vector<16xi32> to vector<16xi32>
    %mul3A_62 = arith.constant 32 : i32
    %mul3A_63 = vector.broadcast %mul3A_62 : i32 to vector<16xi32>
    %mul3A_64 = arith.muli %get3A_61, %mul3A_63 : vector<16xi32>
    %get3A_65 = arith.constant 64 : index
    %get3A_66 = tpu.vector_load %arg10[%get3A_65] {strides = array<i32>} : memref<128xi32, #tpu.memory_space<vmem>>, vector<16xi32>,
    %get3A_67 = vector.shape_cast %get3A_66 : vector<16xi32> to vector<16xi32>
    %add3A_68 = arith.addi %mul3A_64, %get3A_67 : vector<16xi32>
    %swap3A_69 = arith.constant 64 : index
    %swap3A_70 = tpu.vector_load %arg12[%swap3A_69] {strides = array<i32>} : memref<128xi32, #tpu.memory_space<vmem>>, vector<16xi32>,
    %swap3A_71 = vector.shape_cast %swap3A_70 : vector<16xi32> to vector<16xi32>
    %swap3A_72 = vector.shape_cast %add3A_68 : vector<16xi32> to vector<16xi32>
    tpu.vector_store %arg12[%swap3A_69], %swap3A_72 {strides = array<i32>} : memref<128xi32, #tpu.memory_space<vmem>>, vector<16xi32>,
    %get3A_73 = arith.constant 80 : index
    %get3A_74 = tpu.vector_load %arg11[%get3A_73] {strides = array<i32>} : memref<128xi32, #tpu.memory_space<vmem>>, vector<16xi32>,
    %get3A_75 = vector.shape_cast %get3A_74 : vector<16xi32> to vector<16xi32>
    %mul3A_76 = arith.constant 32 : i32
    %mul3A_77 = vector.broadcast %mul3A_76 : i32 to vector<16xi32>
    %mul3A_78 = arith.muli %get3A_75, %mul3A_77 : vector<16xi32>
    %get3A_79 = arith.constant 80 : index
    %get3A_80 = tpu.vector_load %arg10[%get3A_79] {strides = array<i32>} : memref<128xi32, #tpu.memory_space<vmem>>, vector<16xi32>,
    %get3A_81 = vector.shape_cast %get3A_80 : vector<16xi32> to vector<16xi32>
    %add3A_82 = arith.addi %mul3A_78, %get3A_81 : vector<16xi32>
    %swap3A_83 = arith.constant 80 : index
    %swap3A_84 = tpu.vector_load %arg12[%swap3A_83] {strides = array<i32>} : memref<128xi32, #tpu.memory_space<vmem>>, vector<16xi32>,
    %swap3A_85 = vector.shape_cast %swap3A_84 : vector<16xi32> to vector<16xi32>
    %swap3A_86 = vector.shape_cast %add3A_82 : vector<16xi32> to vector<16xi32>
    tpu.vector_store %arg12[%swap3A_83], %swap3A_86 {strides = array<i32>} : memref<128xi32, #tpu.memory_space<vmem>>, vector<16xi32>,
    %get3A_87 = arith.constant 96 : index
    %get3A_88 = tpu.vector_load %arg11[%get3A_87] {strides = array<i32>} : memref<128xi32, #tpu.memory_space<vmem>>, vector<16xi32>,
    %get3A_89 = vector.shape_cast %get3A_88 : vector<16xi32> to vector<16xi32>
    %mul3A_90 = arith.constant 32 : i32
    %mul3A_91 = vector.broadcast %mul3A_90 : i32 to vector<16xi32>
    %mul3A_92 = arith.muli %get3A_89, %mul3A_91 : vector<16xi32>
    %get3A_93 = arith.constant 96 : index
    %get3A_94 = tpu.vector_load %arg10[%get3A_93] {strides = array<i32>} : memref<128xi32, #tpu.memory_space<vmem>>, vector<16xi32>,
    %get3A_95 = vector.shape_cast %get3A_94 : vector<16xi32> to vector<16xi32>
    %add3A_96 = arith.addi %mul3A_92, %get3A_95 : vector<16xi32>
    %swap3A_97 = arith.constant 96 : index
    %swap3A_98 = tpu.vector_load %arg12[%swap3A_97] {strides = array<i32>} : memref<128xi32, #tpu.memory_space<vmem>>, vector<16xi32>,
    %swap3A_99 = vector.shape_cast %swap3A_98 : vector<16xi32> to vector<16xi32>
    %swap3A_100 = vector.shape_cast %add3A_96 : vector<16xi32> to vector<16xi32>
    tpu.vector_store %arg12[%swap3A_97], %swap3A_100 {strides = array<i32>} : memref<128xi32, #tpu.memory_space<vmem>>, vector<16xi32>,
    %get3A_101 = arith.constant 112 : index
    %get3A_102 = tpu.vector_load %arg11[%get3A_101] {strides = array<i32>} : memref<128xi32, #tpu.memory_space<vmem>>, vector<16xi32>,
    %get3A_103 = vector.shape_cast %get3A_102 : vector<16xi32> to vector<16xi32>
    %mul3A_104 = arith.constant 32 : i32
    %mul3A_105 = vector.broadcast %mul3A_104 : i32 to vector<16xi32>
    %mul3A_106 = arith.muli %get3A_103, %mul3A_105 : vector<16xi32>
    %get3A_107 = arith.constant 112 : index
    %get3A_108 = tpu.vector_load %arg10[%get3A_107] {strides = array<i32>} : memref<128xi32, #tpu.memory_space<vmem>>, vector<16xi32>,
    %get3A_109 = vector.shape_cast %get3A_108 : vector<16xi32> to vector<16xi32>
    %add3A_110 = arith.addi %mul3A_106, %get3A_109 : vector<16xi32>
    %swap3A_111 = arith.constant 112 : index
    %swap3A_112 = tpu.vector_load %arg12[%swap3A_111] {strides = array<i32>} : memref<128xi32, #tpu.memory_space<vmem>>, vector<16xi32>,
    %swap3A_113 = vector.shape_cast %swap3A_112 : vector<16xi32> to vector<16xi32>
    %swap3A_114 = vector.shape_cast %add3A_110 : vector<16xi32> to vector<16xi32>
    tpu.vector_store %arg12[%swap3A_111], %swap3A_114 {strides = array<i32>} : memref<128xi32, #tpu.memory_space<vmem>>, vector<16xi32>,
    %dma_start3A_115 = arith.constant 0 : i32
    %dma_start3A_116 = tpu.memref_slice %arg5[%dma_start3A_115] : memref<524288xf32, #tpu.memory_space<hbm>> -> memref<524288xf32, #tpu.memory_space<hbm>>
    tpu.enqueue_indirect_dma source(%dma_start3A_116 : memref<524288xf32, #tpu.memory_space<hbm>>) target(%arg13 : memref<128xf32, #tpu.memory_space<vmem>>) offsets(%arg12 : memref<128xi32, #tpu.memory_space<vmem>>) semaphore(%arg15 : memref<!tpu.dma_semaphore, #tpu.memory_space<semaphore_mem>>)
    %dma_wait3A_117 = arith.constant 0 : i32
    %dma_wait3A_118 = tpu.memref_slice %arg5[%dma_wait3A_117] : memref<524288xf32, #tpu.memory_space<hbm>> -> memref<524288xf32, #tpu.memory_space<hbm>>
    tpu.wait_indirect_dma semaphore(%arg15 : memref<!tpu.dma_semaphore, #tpu.memory_space<semaphore_mem>>) src(%dma_wait3A_118 : memref<524288xf32, #tpu.memory_space<hbm>>) dst(%arg13 : memref<128xf32, #tpu.memory_space<vmem>>)
    %dma_start3A_119 = arith.constant 0 : i32
    %dma_start3A_120 = tpu.memref_slice %arg6[%dma_start3A_119] : memref<16384xf32, #tpu.memory_space<hbm>> -> memref<16384xf32, #tpu.memory_space<hbm>>
    tpu.enqueue_indirect_dma source(%dma_start3A_120 : memref<16384xf32, #tpu.memory_space<hbm>>) target(%arg14 : memref<128xf32, #tpu.memory_space<vmem>>) offsets(%arg11 : memref<128xi32, #tpu.memory_space<vmem>>) semaphore(%arg15 : memref<!tpu.dma_semaphore, #tpu.memory_space<semaphore_mem>>)
    %dma_wait3A_121 = arith.constant 0 : i32
    %dma_wait3A_122 = tpu.memref_slice %arg6[%dma_wait3A_121] : memref<16384xf32, #tpu.memory_space<hbm>> -> memref<16384xf32, #tpu.memory_space<hbm>>
    tpu.wait_indirect_dma semaphore(%arg15 : memref<!tpu.dma_semaphore, #tpu.memory_space<semaphore_mem>>) src(%dma_wait3A_122 : memref<16384xf32, #tpu.memory_space<hbm>>) dst(%arg14 : memref<128xf32, #tpu.memory_space<vmem>>)
    "tpu.region"() ({
      %run_scoped3A = tpu.sem_alloc : memref<!tpu.dma_semaphore, #tpu.memory_space<semaphore_mem>>
      %dma_start3A_123 = tpu.memref_slice %arg7[%mul3A_2] : memref<4096xf32, #tpu.memory_space<hbm>> -> memref<128xf32, #tpu.memory_space<hbm>>
      %dma_start3A_124 = tpu.memref_slice %arg7[%mul3A_2] : memref<4096xf32, #tpu.memory_space<hbm>> -> memref<128xf32, #tpu.memory_space<hbm>>
      tpu.enqueue_dma source(%arg13 : memref<128xf32, #tpu.memory_space<vmem>>) target(%dma_start3A_124 : memref<128xf32, #tpu.memory_space<hbm>>) target_semaphore(%run_scoped3A : memref<!tpu.dma_semaphore, #tpu.memory_space<semaphore_mem>>)
      %dma_wait3A_125 = tpu.memref_slice %arg7[%mul3A_2] : memref<4096xf32, #tpu.memory_space<hbm>> -> memref<128xf32, #tpu.memory_space<hbm>>
      %dma_wait3A_126 = tpu.memref_slice %arg7[%mul3A_2] : memref<4096xf32, #tpu.memory_space<hbm>> -> memref<128xf32, #tpu.memory_space<hbm>>
      tpu.wait_dma2 semaphore(%run_scoped3A : memref<!tpu.dma_semaphore, #tpu.memory_space<semaphore_mem>>) src(%arg13 : memref<128xf32, #tpu.memory_space<vmem>>) dst(%dma_wait3A_126 : memref<128xf32, #tpu.memory_space<hbm>>)
      tpu.yield
    }) : () -> ()
    "tpu.region"() ({
      %run_scoped3A = tpu.sem_alloc : memref<!tpu.dma_semaphore, #tpu.memory_space<semaphore_mem>>
      %dma_start3A_123 = tpu.memref_slice %arg8[%mul3A_2] : memref<4096xf32, #tpu.memory_space<hbm>> -> memref<128xf32, #tpu.memory_space<hbm>>
      %dma_start3A_124 = tpu.memref_slice %arg8[%mul3A_2] : memref<4096xf32, #tpu.memory_space<hbm>> -> memref<128xf32, #tpu.memory_space<hbm>>
      tpu.enqueue_dma source(%arg14 : memref<128xf32, #tpu.memory_space<vmem>>) target(%dma_start3A_124 : memref<128xf32, #tpu.memory_space<hbm>>) target_semaphore(%run_scoped3A : memref<!tpu.dma_semaphore, #tpu.memory_space<semaphore_mem>>)
      %dma_wait3A_125 = tpu.memref_slice %arg8[%mul3A_2] : memref<4096xf32, #tpu.memory_space<hbm>> -> memref<128xf32, #tpu.memory_space<hbm>>
      %dma_wait3A_126 = tpu.memref_slice %arg8[%mul3A_2] : memref<4096xf32, #tpu.memory_space<hbm>> -> memref<128xf32, #tpu.memory_space<hbm>>
      tpu.wait_dma2 semaphore(%run_scoped3A : memref<!tpu.dma_semaphore, #tpu.memory_space<semaphore_mem>>) src(%arg14 : memref<128xf32, #tpu.memory_space<vmem>>) dst(%dma_wait3A_126 : memref<128xf32, #tpu.memory_space<hbm>>)
      tpu.yield
    }) : () -> ()
    return
  }
}

module attributes {stable_mosaic.version = 14 : i64} {
  func.func @_dense_body(%arg0: i32, %arg1: memref<2048x64xbf16, #tpu.memory_space<vmem>>, %arg2: memref<1x64x512xbf16, #tpu.memory_space<vmem>>, %arg3: memref<1x1x2048xi32, #tpu.memory_space<vmem>>, %arg4: memref<512x2048xbf16, #tpu.memory_space<vmem>>, %arg5: memref<2048x512xbf16, #tpu.memory_space<vmem>>, %arg6: memref<512x32xbf16, #tpu.memory_space<vmem>>, %arg7: memref<512x1xf32, #tpu.memory_space<vmem>>, %arg8: memref<2048x32xf32, #tpu.memory_space<vmem>>, %arg9: memref<2048x1xf32, #tpu.memory_space<vmem>>, %arg10: memref<16x1xf32, #tpu.memory_space<vmem>>, %arg11: memref<16x512xf32, #tpu.memory_space<vmem>>, %arg12: memref<16x1xf32, #tpu.memory_space<vmem>>) attributes {dimension_semantics = [#tpu.dimension_semantics<arbitrary>], iteration_bounds = array<i64: 8>, scalar_prefetch = 0 : i64, scratch_operands = 2 : i64, tpu.core_type = #tpu.core_type<tc>, window_params = [{transform_indices = @transform_0, window_bounds = array<i64: 2048, 64>}, {transform_indices = @transform_1, window_bounds = array<i64: 1, 64, 512>}, {transform_indices = @transform_2, window_bounds = array<i64: 1, 1, 2048>}, {pipeline_mode = #tpu.pipeline_mode<synchronous>, transform_indices = @transform_3, window_bounds = array<i64: 512, 2048>}, {pipeline_mode = #tpu.pipeline_mode<synchronous>, transform_indices = @transform_4, window_bounds = array<i64: 2048, 512>}, {pipeline_mode = #tpu.pipeline_mode<synchronous>, transform_indices = @transform_5, window_bounds = array<i64: 512, 32>}, {pipeline_mode = #tpu.pipeline_mode<synchronous>, transform_indices = @transform_6, window_bounds = array<i64: 512, 1>}, {transform_indices = @transform_7, window_bounds = array<i64: 2048, 32>}, {transform_indices = @transform_8, window_bounds = array<i64: 2048, 1>}, {pipeline_mode = #tpu.pipeline_mode<synchronous>, transform_indices = @transform_9, window_bounds = array<i64: 16, 1>}]} {
    %get3A = arith.constant 0 : index
    %get3A_0 = arith.constant 0 : index
    %get3A_1 = vector.load %arg1[%get3A, %get3A_0] : memref<2048x64xbf16, #tpu.memory_space<vmem>>, vector<2048x64xbf16>
    %get3A_2 = arith.constant 0 : index
    %get3A_3 = arith.constant 0 : index
    %get3A_4 = arith.constant 0 : index
    %get3A_5 = vector.load %arg2[%get3A_2, %get3A_3, %get3A_4] : memref<1x64x512xbf16, #tpu.memory_space<vmem>>, vector<1x64x512xbf16>
    %get3A_6 = vector.shape_cast %get3A_5 : vector<1x64x512xbf16> to vector<64x512xbf16>
    %dot_general3A = arith.constant dense<0.000000e+00> : vector<2048x512xf32>
    %dot_general3A_7 = tpu.matmul %get3A_1, %get3A_6, %dot_general3A {dimension_numbers = #tpu.dot_dimension_numbers<[1], [0], [0], [1], [0, 0, 1, 1], [], []>, transpose_lhs_hint = false} : vector<2048x64xbf16>, vector<64x512xbf16>, vector<2048x512xf32> -> vector<2048x512xf32>
    %max3A = arith.constant 0.000000e+00 : f32
    %max3A_8 = vector.broadcast %max3A : f32 to vector<2048x512xf32>
    %max3A_9 = arith.maximumf %dot_general3A_7, %max3A_8 : vector<2048x512xf32>
    %convert_element_type3A = arith.truncf %max3A_9 : vector<2048x512xf32> to vector<2048x512xbf16>
    %get3A_10 = arith.constant 0 : index
    %get3A_11 = arith.constant 0 : index
    %get3A_12 = vector.load %arg4[%get3A_10, %get3A_11] : memref<512x2048xbf16, #tpu.memory_space<vmem>>, vector<512x512xbf16>
    %dot_general3A_13 = arith.constant dense<0.000000e+00> : vector<2048x512xf32>
    %dot_general3A_14 = tpu.matmul %convert_element_type3A, %get3A_12, %dot_general3A_13 {dimension_numbers = #tpu.dot_dimension_numbers<[1], [0], [0], [1], [0, 0, 1, 1], [], []>, transpose_lhs_hint = false} : vector<2048x512xbf16>, vector<512x512xbf16>, vector<2048x512xf32> -> vector<2048x512xf32>
    %max3A_15 = arith.constant 0.000000e+00 : f32
    %max3A_16 = vector.broadcast %max3A_15 : f32 to vector<2048x512xf32>
    %max3A_17 = arith.maximumf %dot_general3A_14, %max3A_16 : vector<2048x512xf32>
    %convert_element_type3A_18 = arith.truncf %max3A_17 : vector<2048x512xf32> to vector<2048x512xbf16>
    %get3A_19 = arith.constant 0 : index
    %get3A_20 = arith.constant 0 : index
    %get3A_21 = vector.load %arg5[%get3A_19, %get3A_20] : memref<2048x512xbf16, #tpu.memory_space<vmem>>, vector<512x512xbf16>
    %dot_general3A_22 = arith.constant dense<0.000000e+00> : vector<2048x512xf32>
    %dot_general3A_23 = tpu.matmul %convert_element_type3A_18, %get3A_21, %dot_general3A_22 {dimension_numbers = #tpu.dot_dimension_numbers<[1], [0], [0], [1], [0, 0, 1, 1], [], []>, transpose_lhs_hint = false} : vector<2048x512xbf16>, vector<512x512xbf16>, vector<2048x512xf32> -> vector<2048x512xf32>
    %add3A = arith.addf %max3A_9, %dot_general3A_23 : vector<2048x512xf32>
    %get3A_24 = arith.constant 0 : index
    %get3A_25 = arith.constant 512 : index
    %get3A_26 = vector.load %arg4[%get3A_24, %get3A_25] : memref<512x2048xbf16, #tpu.memory_space<vmem>>, vector<512x512xbf16>
    %dot_general3A_27 = arith.constant dense<0.000000e+00> : vector<2048x512xf32>
    %dot_general3A_28 = tpu.matmul %convert_element_type3A, %get3A_26, %dot_general3A_27 {dimension_numbers = #tpu.dot_dimension_numbers<[1], [0], [0], [1], [0, 0, 1, 1], [], []>, transpose_lhs_hint = false} : vector<2048x512xbf16>, vector<512x512xbf16>, vector<2048x512xf32> -> vector<2048x512xf32>
    %max3A_29 = arith.constant 0.000000e+00 : f32
    %max3A_30 = vector.broadcast %max3A_29 : f32 to vector<2048x512xf32>
    %max3A_31 = arith.maximumf %dot_general3A_28, %max3A_30 : vector<2048x512xf32>
    %convert_element_type3A_32 = arith.truncf %max3A_31 : vector<2048x512xf32> to vector<2048x512xbf16>
    %get3A_33 = arith.constant 512 : index
    %get3A_34 = arith.constant 0 : index
    %get3A_35 = vector.load %arg5[%get3A_33, %get3A_34] : memref<2048x512xbf16, #tpu.memory_space<vmem>>, vector<512x512xbf16>
    %dot_general3A_36 = arith.constant dense<0.000000e+00> : vector<2048x512xf32>
    %dot_general3A_37 = tpu.matmul %convert_element_type3A_32, %get3A_35, %dot_general3A_36 {dimension_numbers = #tpu.dot_dimension_numbers<[1], [0], [0], [1], [0, 0, 1, 1], [], []>, transpose_lhs_hint = false} : vector<2048x512xbf16>, vector<512x512xbf16>, vector<2048x512xf32> -> vector<2048x512xf32>
    %add3A_38 = arith.addf %add3A, %dot_general3A_37 : vector<2048x512xf32>
    %get3A_39 = arith.constant 0 : index
    %get3A_40 = arith.constant 1024 : index
    %get3A_41 = vector.load %arg4[%get3A_39, %get3A_40] : memref<512x2048xbf16, #tpu.memory_space<vmem>>, vector<512x512xbf16>
    %dot_general3A_42 = arith.constant dense<0.000000e+00> : vector<2048x512xf32>
    %dot_general3A_43 = tpu.matmul %convert_element_type3A, %get3A_41, %dot_general3A_42 {dimension_numbers = #tpu.dot_dimension_numbers<[1], [0], [0], [1], [0, 0, 1, 1], [], []>, transpose_lhs_hint = false} : vector<2048x512xbf16>, vector<512x512xbf16>, vector<2048x512xf32> -> vector<2048x512xf32>
    %max3A_44 = arith.constant 0.000000e+00 : f32
    %max3A_45 = vector.broadcast %max3A_44 : f32 to vector<2048x512xf32>
    %max3A_46 = arith.maximumf %dot_general3A_43, %max3A_45 : vector<2048x512xf32>
    %convert_element_type3A_47 = arith.truncf %max3A_46 : vector<2048x512xf32> to vector<2048x512xbf16>
    %get3A_48 = arith.constant 1024 : index
    %get3A_49 = arith.constant 0 : index
    %get3A_50 = vector.load %arg5[%get3A_48, %get3A_49] : memref<2048x512xbf16, #tpu.memory_space<vmem>>, vector<512x512xbf16>
    %dot_general3A_51 = arith.constant dense<0.000000e+00> : vector<2048x512xf32>
    %dot_general3A_52 = tpu.matmul %convert_element_type3A_47, %get3A_50, %dot_general3A_51 {dimension_numbers = #tpu.dot_dimension_numbers<[1], [0], [0], [1], [0, 0, 1, 1], [], []>, transpose_lhs_hint = false} : vector<2048x512xbf16>, vector<512x512xbf16>, vector<2048x512xf32> -> vector<2048x512xf32>
    %add3A_53 = arith.addf %add3A_38, %dot_general3A_52 : vector<2048x512xf32>
    %get3A_54 = arith.constant 0 : index
    %get3A_55 = arith.constant 1536 : index
    %get3A_56 = vector.load %arg4[%get3A_54, %get3A_55] : memref<512x2048xbf16, #tpu.memory_space<vmem>>, vector<512x512xbf16>
    %dot_general3A_57 = arith.constant dense<0.000000e+00> : vector<2048x512xf32>
    %dot_general3A_58 = tpu.matmul %convert_element_type3A, %get3A_56, %dot_general3A_57 {dimension_numbers = #tpu.dot_dimension_numbers<[1], [0], [0], [1], [0, 0, 1, 1], [], []>, transpose_lhs_hint = false} : vector<2048x512xbf16>, vector<512x512xbf16>, vector<2048x512xf32> -> vector<2048x512xf32>
    %max3A_59 = arith.constant 0.000000e+00 : f32
    %max3A_60 = vector.broadcast %max3A_59 : f32 to vector<2048x512xf32>
    %max3A_61 = arith.maximumf %dot_general3A_58, %max3A_60 : vector<2048x512xf32>
    %convert_element_type3A_62 = arith.truncf %max3A_61 : vector<2048x512xf32> to vector<2048x512xbf16>
    %get3A_63 = arith.constant 1536 : index
    %get3A_64 = arith.constant 0 : index
    %get3A_65 = vector.load %arg5[%get3A_63, %get3A_64] : memref<2048x512xbf16, #tpu.memory_space<vmem>>, vector<512x512xbf16>
    %dot_general3A_66 = arith.constant dense<0.000000e+00> : vector<2048x512xf32>
    %dot_general3A_67 = tpu.matmul %convert_element_type3A_62, %get3A_65, %dot_general3A_66 {dimension_numbers = #tpu.dot_dimension_numbers<[1], [0], [0], [1], [0, 0, 1, 1], [], []>, transpose_lhs_hint = false} : vector<2048x512xbf16>, vector<512x512xbf16>, vector<2048x512xf32> -> vector<2048x512xf32>
    %add3A_68 = arith.addf %add3A_53, %dot_general3A_67 : vector<2048x512xf32>
    %convert_element_type3A_69 = arith.truncf %add3A_68 : vector<2048x512xf32> to vector<2048x512xbf16>
    %get3A_70 = arith.constant 0 : index
    %get3A_71 = arith.constant 0 : index
    %get3A_72 = vector.load %arg6[%get3A_70, %get3A_71] : memref<512x32xbf16, #tpu.memory_space<vmem>>, vector<512x32xbf16>
    %dot_general3A_73 = arith.constant dense<0.000000e+00> : vector<2048x32xf32>
    %dot_general3A_74 = tpu.matmul %convert_element_type3A_69, %get3A_72, %dot_general3A_73 {dimension_numbers = #tpu.dot_dimension_numbers<[1], [0], [0], [1], [0, 0, 1, 1], [], []>, transpose_lhs_hint = false} : vector<2048x512xbf16>, vector<512x32xbf16>, vector<2048x32xf32> -> vector<2048x32xf32>
    %exp3A = math.exp %dot_general3A_74 : vector<2048x32xf32>
    %reduce_sum3A = arith.constant dense<0.000000e+00> : vector<2048xf32>
    %reduce_sum3A_75 = vector.multi_reduction <add>, %exp3A, %reduce_sum3A [1] : vector<2048x32xf32> to vector<2048xf32>
    %broadcast_in_dim3A = vector.shape_cast %reduce_sum3A_75 : vector<2048xf32> to vector<2048x1xf32>
    %log3A = math.log %broadcast_in_dim3A : vector<2048x1xf32>
    %sub3A = vector.broadcast %log3A : vector<2048x1xf32> to vector<2048x32xf32>
    %sub3A_76 = arith.subf %dot_general3A_74, %sub3A : vector<2048x32xf32>
    %swap3A = arith.constant 0 : index
    %swap3A_77 = arith.constant 0 : index
    %swap3A_78 = vector.load %arg8[%swap3A, %swap3A_77] : memref<2048x32xf32, #tpu.memory_space<vmem>>, vector<2048x32xf32>
    tpu.vector_store %arg8[%swap3A, %swap3A_77], %sub3A_76 {strides = array<i32>} : memref<2048x32xf32, #tpu.memory_space<vmem>>, vector<2048x32xf32>,
    %mul3A = arith.mulf %exp3A, %dot_general3A_74 : vector<2048x32xf32>
    %reduce_sum3A_79 = arith.constant dense<0.000000e+00> : vector<2048xf32>
    %reduce_sum3A_80 = vector.multi_reduction <add>, %mul3A, %reduce_sum3A_79 [1] : vector<2048x32xf32> to vector<2048xf32>
    %broadcast_in_dim3A_81 = vector.shape_cast %reduce_sum3A_80 : vector<2048xf32> to vector<2048x1xf32>
    %div3A = arith.divf %broadcast_in_dim3A_81, %broadcast_in_dim3A : vector<2048x1xf32>
    %sub3A_82 = arith.subf %log3A, %div3A : vector<2048x1xf32>
    %swap3A_83 = arith.constant 0 : index
    %swap3A_84 = arith.constant 0 : index
    %swap3A_85 = vector.load %arg9[%swap3A_83, %swap3A_84] : memref<2048x1xf32, #tpu.memory_space<vmem>>, vector<2048x1xf32>
    tpu.vector_store %arg9[%swap3A_83, %swap3A_84], %sub3A_82 {strides = array<i32>} : memref<2048x1xf32, #tpu.memory_space<vmem>>, vector<2048x1xf32>,
    %convert_element_type3A_86 = arith.extf %convert_element_type3A_69 : vector<2048x512xbf16> to vector<2048x512xf32>
    %sub3A_87 = arith.subf %add3A_68, %convert_element_type3A_86 : vector<2048x512xf32>
    %convert_element_type3A_88 = arith.truncf %sub3A_87 : vector<2048x512xf32> to vector<2048x512xbf16>
    %get3A_89 = arith.constant 0 : index
    %get3A_90 = arith.constant 0 : index
    %get3A_91 = arith.constant 0 : index
    %get3A_92 = vector.load %arg3[%get3A_89, %get3A_90, %get3A_91] : memref<1x1x2048xi32, #tpu.memory_space<vmem>>, vector<1x1x2048xi32>
    %get3A_93 = vector.shape_cast %get3A_92 : vector<1x1x2048xi32> to vector<2048xi32>
    %iota3A = tpu.iota {dimensions = array<i32: 0>} : vector<16x2048xi32>
    %broadcast_in_dim3A_94 = vector.shape_cast %get3A_93 : vector<2048xi32> to vector<1x2048xi32>
    %eq3A = vector.broadcast %broadcast_in_dim3A_94 : vector<1x2048xi32> to vector<16x2048xi32>
    %eq3A_95 = arith.cmpi eq, %iota3A, %eq3A : vector<16x2048xi32>
    %convert_element_type3A_96 = arith.extui %eq3A_95 : vector<16x2048xi1> to vector<16x2048xi32>
    %convert_element_type3A_97 = arith.sitofp %convert_element_type3A_96 : vector<16x2048xi32> to vector<16x2048xf32>
    %convert_element_type3A_98 = arith.truncf %convert_element_type3A_97 : vector<16x2048xf32> to vector<16x2048xbf16>
    %dot_general3A_99 = arith.constant dense<0.000000e+00> : vector<16x512xf32>
    %dot_general3A_100 = tpu.matmul %convert_element_type3A_98, %convert_element_type3A_69, %dot_general3A_99 {dimension_numbers = #tpu.dot_dimension_numbers<[1], [0], [0], [1], [0, 0, 1, 1], [], []>, transpose_lhs_hint = false} : vector<16x2048xbf16>, vector<2048x512xbf16>, vector<16x512xf32> -> vector<16x512xf32>
    %dot_general3A_101 = arith.constant dense<0.000000e+00> : vector<16x512xf32>
    %dot_general3A_102 = tpu.matmul %convert_element_type3A_98, %convert_element_type3A_88, %dot_general3A_101 {dimension_numbers = #tpu.dot_dimension_numbers<[1], [0], [0], [1], [0, 0, 1, 1], [], []>, transpose_lhs_hint = false} : vector<16x2048xbf16>, vector<2048x512xbf16>, vector<16x512xf32> -> vector<16x512xf32>
    %add3A_103 = arith.addf %dot_general3A_100, %dot_general3A_102 : vector<16x512xf32>
    %convert_element_type3A_104 = arith.extf %convert_element_type3A_98 : vector<16x2048xbf16> to vector<16x2048xf32>
    %reduce_sum3A_105 = arith.constant dense<0.000000e+00> : vector<16xf32>
    %reduce_sum3A_106 = vector.multi_reduction <add>, %convert_element_type3A_104, %reduce_sum3A_105 [1] : vector<16x2048xf32> to vector<16xf32>
    %broadcast_in_dim3A_107 = vector.shape_cast %reduce_sum3A_106 : vector<16xf32> to vector<16x1xf32>
    %eq3A_108 = arith.constant 0 : i32
    %eq3A_109 = arith.cmpi eq, %arg0, %eq3A_108 : i32
    %convert_element_type3A_110 = arith.extui %eq3A_109 : i1 to i32
    %cond3A = arith.constant 0 : i32
    %cond3A_111 = arith.cmpi ne, %convert_element_type3A_110, %cond3A : i32
    scf.if %cond3A_111 {
      %swap3A_121 = arith.constant 0 : index
      %swap3A_122 = arith.constant 0 : index
      %swap3A_123 = vector.load %arg11[%swap3A_121, %swap3A_122] : memref<16x512xf32, #tpu.memory_space<vmem>>, vector<16x512xf32>
      tpu.vector_store %arg11[%swap3A_121, %swap3A_122], %add3A_103 {strides = array<i32>} : memref<16x512xf32, #tpu.memory_space<vmem>>, vector<16x512xf32>,
      %swap3A_124 = arith.constant 0 : index
      %swap3A_125 = arith.constant 0 : index
      %swap3A_126 = vector.load %arg12[%swap3A_124, %swap3A_125] : memref<16x1xf32, #tpu.memory_space<vmem>>, vector<16x1xf32>
      tpu.vector_store %arg12[%swap3A_124, %swap3A_125], %broadcast_in_dim3A_107 {strides = array<i32>} : memref<16x1xf32, #tpu.memory_space<vmem>>, vector<16x1xf32>,
    } else {
    }
    %gt3A = arith.constant 0 : i32
    %gt3A_112 = arith.cmpi sgt, %arg0, %gt3A : i32
    %convert_element_type3A_113 = arith.extui %gt3A_112 : i1 to i32
    %cond3A_114 = arith.constant 0 : i32
    %cond3A_115 = arith.cmpi ne, %convert_element_type3A_113, %cond3A_114 : i32
    scf.if %cond3A_115 {
      %get3A_121 = arith.constant 0 : index
      %get3A_122 = arith.constant 0 : index
      %get3A_123 = vector.load %arg11[%get3A_121, %get3A_122] : memref<16x512xf32, #tpu.memory_space<vmem>>, vector<16x512xf32>
      %add3A_124 = arith.addf %get3A_123, %add3A_103 : vector<16x512xf32>
      %swap3A_125 = arith.constant 0 : index
      %swap3A_126 = arith.constant 0 : index
      %swap3A_127 = vector.load %arg11[%swap3A_125, %swap3A_126] : memref<16x512xf32, #tpu.memory_space<vmem>>, vector<16x512xf32>
      tpu.vector_store %arg11[%swap3A_125, %swap3A_126], %add3A_124 {strides = array<i32>} : memref<16x512xf32, #tpu.memory_space<vmem>>, vector<16x512xf32>,
      %get3A_128 = arith.constant 0 : index
      %get3A_129 = arith.constant 0 : index
      %get3A_130 = vector.load %arg12[%get3A_128, %get3A_129] : memref<16x1xf32, #tpu.memory_space<vmem>>, vector<16x1xf32>
      %add3A_131 = arith.addf %get3A_130, %broadcast_in_dim3A_107 : vector<16x1xf32>
      %swap3A_132 = arith.constant 0 : index
      %swap3A_133 = arith.constant 0 : index
      %swap3A_134 = vector.load %arg12[%swap3A_132, %swap3A_133] : memref<16x1xf32, #tpu.memory_space<vmem>>, vector<16x1xf32>
      tpu.vector_store %arg12[%swap3A_132, %swap3A_133], %add3A_131 {strides = array<i32>} : memref<16x1xf32, #tpu.memory_space<vmem>>, vector<16x1xf32>,
    } else {
    }
    %eq3A_116 = arith.constant 7 : i32
    %eq3A_117 = arith.cmpi eq, %arg0, %eq3A_116 : i32
    %convert_element_type3A_118 = arith.extui %eq3A_117 : i1 to i32
    %cond3A_119 = arith.constant 0 : i32
    %cond3A_120 = arith.cmpi ne, %convert_element_type3A_118, %cond3A_119 : i32
    scf.if %cond3A_120 {
      %get3A_121 = arith.constant 0 : index
      %get3A_122 = arith.constant 0 : index
      %get3A_123 = vector.load %arg11[%get3A_121, %get3A_122] : memref<16x512xf32, #tpu.memory_space<vmem>>, vector<16x512xf32>
      %get3A_124 = arith.constant 0 : index
      %get3A_125 = arith.constant 0 : index
      %get3A_126 = vector.load %arg12[%get3A_124, %get3A_125] : memref<16x1xf32, #tpu.memory_space<vmem>>, vector<16x1xf32>
      %max3A_127 = arith.constant 1.000000e+00 : f32
      %max3A_128 = vector.broadcast %max3A_127 : f32 to vector<16x1xf32>
      %max3A_129 = arith.maximumf %get3A_126, %max3A_128 : vector<16x1xf32>
      %div3A_130 = vector.broadcast %max3A_129 : vector<16x1xf32> to vector<16x512xf32>
      %div3A_131 = arith.divf %get3A_123, %div3A_130 : vector<16x512xf32>
      %convert_element_type3A_132 = arith.truncf %div3A_131 : vector<16x512xf32> to vector<16x512xbf16>
      %get3A_133 = arith.constant 0 : index
      %get3A_134 = arith.constant 0 : index
      %get3A_135 = vector.load %arg7[%get3A_133, %get3A_134] : memref<512x1xf32, #tpu.memory_space<vmem>>, vector<512x1xf32>
      %convert_element_type3A_136 = arith.truncf %get3A_135 : vector<512x1xf32> to vector<512x1xbf16>
      %dot_general3A_137 = arith.constant dense<0.000000e+00> : vector<16x1xf32>
      %dot_general3A_138 = tpu.matmul %convert_element_type3A_132, %convert_element_type3A_136, %dot_general3A_137 {dimension_numbers = #tpu.dot_dimension_numbers<[1], [0], [0], [1], [0, 0, 1, 1], [], []>, transpose_lhs_hint = false} : vector<16x512xbf16>, vector<512x1xbf16>, vector<16x1xf32> -> vector<16x1xf32>
      %swap3A_139 = arith.constant 0 : index
      %swap3A_140 = arith.constant 0 : index
      %swap3A_141 = vector.load %arg10[%swap3A_139, %swap3A_140] : memref<16x1xf32, #tpu.memory_space<vmem>>, vector<16x1xf32>
      tpu.vector_store %arg10[%swap3A_139, %swap3A_140], %dot_general3A_138 {strides = array<i32>} : memref<16x1xf32, #tpu.memory_space<vmem>>, vector<16x1xf32>,
    } else {
    }
    return
  }
  func.func @transform_0(%arg0: i32) -> (i32, i32) {
    %c0_i32 = arith.constant 0 : i32
    %c0_i32_0 = arith.constant 0 : i32
    return %arg0, %c0_i32 : i32, i32
  }
  func.func @transform_1(%arg0: i32) -> (i32, i32, i32) {
    %jit3A = arith.constant 4 : i32
    %div3A = arith.divsi %arg0, %jit3A : i32
    %sign3A = arith.constant 0 : i32
    %sign3A_0 = arith.cmpi sgt, %arg0, %sign3A : i32
    %sign3A_1 = arith.extui %sign3A_0 : i1 to i32
    %sign3A_2 = arith.constant 0 : i32
    %sign3A_3 = arith.cmpi slt, %arg0, %sign3A_2 : i32
    %sign3A_4 = arith.extui %sign3A_3 : i1 to i32
    %sign3A_5 = arith.subi %sign3A_1, %sign3A_4 : i32
    %sign3A_6 = arith.constant 0 : i32
    %sign3A_7 = arith.cmpi sgt, %jit3A, %sign3A_6 : i32
    %sign3A_8 = arith.extui %sign3A_7 : i1 to i32
    %sign3A_9 = arith.constant 0 : i32
    %sign3A_10 = arith.cmpi slt, %jit3A, %sign3A_9 : i32
    %sign3A_11 = arith.extui %sign3A_10 : i1 to i32
    %sign3A_12 = arith.subi %sign3A_8, %sign3A_11 : i32
    %ne3A = arith.cmpi ne, %sign3A_5, %sign3A_12 : i32
    %rem3A = arith.remsi %arg0, %jit3A : i32
    %ne3A_13 = arith.constant 0 : i32
    %ne3A_14 = arith.cmpi ne, %rem3A, %ne3A_13 : i32
    %and3A = arith.andi %ne3A, %ne3A_14 : i1
    %sub3A = arith.constant 1 : i32
    %sub3A_15 = arith.subi %div3A, %sub3A : i32
    %select_n3A = arith.select %and3A, %sub3A_15, %div3A : i32
    %c0_i32 = arith.constant 0 : i32
    %c0_i32_16 = arith.constant 0 : i32
    %c0_i32_17 = arith.constant 0 : i32
    return %select_n3A, %c0_i32, %c0_i32_16 : i32, i32, i32
  }
  func.func @transform_2(%arg0: i32) -> (i32, i32, i32) {
    %c0_i32 = arith.constant 0 : i32
    %c0_i32_0 = arith.constant 0 : i32
    %c0_i32_1 = arith.constant 0 : i32
    return %arg0, %c0_i32, %c0_i32_0 : i32, i32, i32
  }
  func.func @transform_3(%arg0: i32) -> (i32, i32) {
    %c0_i32 = arith.constant 0 : i32
    %c0_i32_0 = arith.constant 0 : i32
    %c0_i32_1 = arith.constant 0 : i32
    return %c0_i32, %c0_i32_0 : i32, i32
  }
  func.func @transform_4(%arg0: i32) -> (i32, i32) {
    %c0_i32 = arith.constant 0 : i32
    %c0_i32_0 = arith.constant 0 : i32
    %c0_i32_1 = arith.constant 0 : i32
    return %c0_i32, %c0_i32_0 : i32, i32
  }
  func.func @transform_5(%arg0: i32) -> (i32, i32) {
    %c0_i32 = arith.constant 0 : i32
    %c0_i32_0 = arith.constant 0 : i32
    %c0_i32_1 = arith.constant 0 : i32
    return %c0_i32, %c0_i32_0 : i32, i32
  }
  func.func @transform_6(%arg0: i32) -> (i32, i32) {
    %c0_i32 = arith.constant 0 : i32
    %c0_i32_0 = arith.constant 0 : i32
    %c0_i32_1 = arith.constant 0 : i32
    return %c0_i32, %c0_i32_0 : i32, i32
  }
  func.func @transform_7(%arg0: i32) -> (i32, i32) {
    %c0_i32 = arith.constant 0 : i32
    %c0_i32_0 = arith.constant 0 : i32
    return %arg0, %c0_i32 : i32, i32
  }
  func.func @transform_8(%arg0: i32) -> (i32, i32) {
    %c0_i32 = arith.constant 0 : i32
    %c0_i32_0 = arith.constant 0 : i32
    return %arg0, %c0_i32 : i32, i32
  }
  func.func @transform_9(%arg0: i32) -> (i32, i32) {
    %c0_i32 = arith.constant 0 : i32
    %c0_i32_0 = arith.constant 0 : i32
    %c0_i32_1 = arith.constant 0 : i32
    return %c0_i32, %c0_i32_0 : i32, i32
  }
}

</mosaic_0001>

<sc_bundles>
// kernel: kernel.4.cloned.1.call-start
scs
__scs_entry_jumppad:
0x0: {  	(pc) =	sbr.rel $0x88, $3  }
0x1: {  	(tag) =	ssettag $0x0;
	lr =	simm.s32 $0x1  }
0x2: {  	[smem:$0x3F95] =	sst lr;
	_ =	strace $0xD0000000  }
0x3: {  	_ = 	snop  }
0x4: {  	_ = 	snop  }
0x5: {  	_ = 	snop  }
0x6: {  	_ = 	snop  }
0x7: {  	_ = 	snop  }
__scs_overlays_trampoline_lowered:
0x8: {  	[smem:$0x3FA4] =	sst s0  }
0x9: {  	[smem:$0x3FA5] =	sst s1  }
0xa: {  	[smem:$0x3FA6] =	sst s2  }
0xb: {  	[smem:$0x3FA7] =	sst s3  }
0xc: {  	[smem:$0x3FA8] =	sst s4  }
0xd: {  	[smem:$0x3FA9] =	sst s5  }
0xe: {  	[smem:$0x3FAA] =	sst s6  }
0xf: {  	[smem:$0x3FAB] =	sst s7  }
0x10: {  	[smem:$0x3FAC] =	sst s8  }
0x11: {  	[smem:$0x3FAD] =	sst s9;
	s0 =	simm.s32 @!p0 $0x0  }
0x12: {  	s1 =	sld [smem:$0x3F93];
	s0 =	simm.s32 @p0 $0x1  }
0x13: {  	[smem:$0x3FAE] =	sst s0;
	s0 =	simm.s32 @!p1 $0x0  }
0x14: {  	s2 =	sld [smem:$0x3F92];
	s0 =	simm.s32 @p1 $0x1  }
0x15: {  	[smem:$0x3FAF] =	sst s0;
	s0 =	simm.s32 @!p2 $0x0  }
0x16: {  	s3 =	sld [smem:$0x3FDB];
	s0 =	simm.s32 @p2 $0x1  }
0x17: {  	s4 =	simm.s32 $0x1BF5;
	[smem:$0x3FB1] =	sst s0  }
0x18: {  	s0 =	sld [smem:$0x3F94];
	_ =	swait.ge [sflag:s4], $0x0  }
0x19: {  	s7 =	sld [smem:$0x3F95]  }
0x1a: {  	s8 =	sadd.s32 $0xFFFFE003, lr  }
0x1b: {  	s9 =	sadd.s32 $0xFFFFFEF7, lr;
	s5 =	simm.s32 $0xFFFFFFFF;
	p2 =	slt.u32 s8, $0xFFFFF086  }
0x1c: {  	p1 =	slt.u32 s9, $0xF7A;
	s5 =	simm.s32 @!p2 $0x0  }
0x1d: {  	s5 =	simm.s32 @p1 $0x1;
	p0 =	seq.s32 s7, s2  }
0x1e: {  	s7 =	smul.u32 @!p0 $0xF7A, s2;
	p2 =	seq.s32 @!p0 s5, $0x0  }
0x1f: {  	s9 =	smul.u32 $0xF7A, s1;
	s8 =	simm.s32 @!p0 $0x1BF5;
	p2 =	por !p2, p0  }
0x20: {  	[sflag:s8] =	ssyncset.s32 @!p0 $0xFFFFF086;
	s6 =	sadd.s32 @!p0 s3, s7;
	s7 =	simm.s32 @!p0 $0x108  }
0x21: {  	s3 =	sadd.s32 s3, s9;
	s6 =	sadd.s32 @!p0 $0x88, s6;
	s7 =	simm.s32 @p2 $0x1082  }
0x22: {  	[simem:s7], [sflag:s8] =	dma.local @!p0 [hbm:s6], $0xF7A  }
0x23: {  	s9 =	sor.u32 $0xD0000000, s2;
	s6 =	simm.s32 $0x108;
	_ =	swait.ge @!p0 [sflag:s8], $0x0  }
0x24: {  	s3 =	sadd.s32 $0x88, s3;
	s6 =	simm.s32 @!p1 $0x1082;
	[sflag:s4] =	ssyncset.s32 $0xFFFFF086  }
0x25: {  	[simem:s6], [sflag:s4] =	dma.local [hbm:s3], $0xF7A  }
0x26: {  	[smem:$0x3F95] =	sst s1;
	(tag) =	ssettag s2;
	_ =	strace s9  }
0x27: {  	s1 =	sld [smem:$0x3FA5]  }
0x28: {  	s2 =	sld [smem:$0x3FA6]  }
0x29: {  	s4 =	sld [smem:$0x3FA8]  }
0x2a: {  	p0 =	seq.s32 s5, $0x0;
	s5 =	sld [smem:$0x3FA9]  }
0x2b: {  	s6 =	sld [smem:$0x3FAA]  }
0x2c: {  	s7 =	sld [smem:$0x3FAB]  }
0x2d: {  	s3 =	simm.s32 $0x108;
	s8 =	sld [smem:$0x3FAC]  }
0x2e: {  	s3 =	simm.s32 @!p0 $0x1082;
	s9 =	sld [smem:$0x3FAD]  }
0x2f: {  	lr =	sadd.s32 s0, s3;
	s0 =	sld [smem:$0x3FA4]  }
0x30: {  	s3 =	sld [smem:$0x3FA7]  }
0x31: {  	[smem:$0x3FB0] =	sst s10  }
0x32: {  	s10 =	sld [smem:$0x3FAE];
	_ =	sdelay $0x3  }
0x33: {  	p0 =	seq.s32 s10, $0x1;
	s10 =	sld [smem:$0x3FB0];
	_ =	sdelay $0x3  }
0x34: {  	[smem:$0x3FB0] =	sst s10  }
0x35: {  	s10 =	sld [smem:$0x3FAF];
	_ =	sdelay $0x3  }
0x36: {  	p1 =	seq.s32 s10, $0x1;
	s10 =	sld [smem:$0x3FB0];
	_ =	sdelay $0x3  }
0x37: {  	[smem:$0x3FB0] =	sst s10  }
0x38: {  	s10 =	sld [smem:$0x3FB1]  }
0x39: {  	_ = 	snop;
	(pc) =	sbr.ind lr, $3  }
0x3a: {  	_ = 	snop  }
0x3b: {  	_ = 	snop  }
0x3c: {  	p2 =	seq.s32 s10, $0x1;
	s10 =	sld [smem:$0x3FB0]  }
0x3d: {  	_ =	shalt  }
0x3e: {  	_ =	shalt  }
0x3f: {  	_ =	shalt  }
0x40: {  	_ =	shalt  }
0x41: {  	_ =	shalt  }
0x42: {  	_ =	shalt  }
0x43: {  	_ =	shalt  }
0x44: {  	_ =	shalt  }
0x45: {  	_ =	shalt  }
0x46: {  	_ =	shalt  }
0x47: {  	_ =	shalt  }
0x48: {  	_ =	shalt  }
0x49: {  	_ =	shalt  }
0x4a: {  	_ =	shalt  }
0x4b: {  	_ =	shalt  }
0x4c: {  	_ =	shalt  }
0x4d: {  	_ =	shalt  }
0x4e: {  	_ =	shalt  }
0x4f: {  	_ =	shalt  }
0x50: {  	_ =	shalt  }
0x51: {  	_ =	shalt  }
0x52: {  	_ =	shalt  }
0x53: {  	_ =	shalt  }
0x54: {  	_ =	shalt  }
0x55: {  	_ =	shalt  }
0x56: {  	_ =	shalt  }
0x57: {  	_ =	shalt  }
0x58: {  	_ =	shalt  }
0x59: {  	_ =	shalt  }
0x5a: {  	_ =	shalt  }
0x5b: {  	_ =	shalt  }
0x5c: {  	_ =	shalt  }
0x5d: {  	_ =	shalt  }
0x5e: {  	_ =	shalt  }
0x5f: {  	_ =	shalt  }
0x60: {  	_ =	shalt  }
0x61: {  	_ =	shalt  }
0x62: {  	_ =	shalt  }
0x63: {  	_ =	shalt  }
0x64: {  	_ =	shalt  }
0x65: {  	_ =	shalt  }
0x66: {  	_ =	shalt  }
0x67: {  	_ =	shalt  }
0x68: {  	_ =	shalt  }
0x69: {  	_ =	shalt  }
0x6a: {  	_ =	shalt  }
0x6b: {  	_ =	shalt  }
0x6c: {  	_ =	shalt  }
0x6d: {  	_ =	shalt  }
0x6e: {  	_ =	shalt  }
0x6f: {  	_ =	shalt  }
0x70: {  	_ =	shalt  }
0x71: {  	_ =	shalt  }
0x72: {  	_ =	shalt  }
0x73: {  	_ =	shalt  }
0x74: {  	_ =	shalt  }
0x75: {  	_ =	shalt  }
0x76: {  	_ =	shalt  }
0x77: {  	_ =	shalt  }
0x78: {  	_ =	shalt  }
0x79: {  	_ =	shalt  }
0x7a: {  	_ =	shalt  }
0x7b: {  	_ =	shalt  }
0x7c: {  	_ =	shalt  }
0x7d: {  	_ =	shalt  }
0x7e: {  	_ =	shalt  }
0x7f: {  	_ =	shalt  }
0x80: {  	_ =	shalt  }
0x81: {  	_ =	shalt  }
0x82: {  	_ =	shalt  }
0x83: {  	_ =	shalt  }
0x84: {  	_ =	shalt  }
0x85: {  	_ =	shalt  }
0x86: {  	_ =	shalt  }
0x87: {  	_ =	shalt  }
.Lfunc_end0:
.L_simem_size_0:
called_computation_lowered:
.L_overlay_start_0:
0x88: {  	s2 =	sld [smem:$0x3FD9]  }
0x89: {  	s3 =	sld [smem:$0x3FFE];
	_ =	sdelay $0x1  }
0x8a: {  	s1 =	srdreg.scid  }
0x8b: {  	s0 =	sand.u32 $0x1, s1  }
0x8c: {  	s14 =	sshll.u32 s0, $0xA;
	s2 =	sadd.s32 s3, s2  }
0x8d: {  	s2 =	sadd.s32 s2, s14  }
0x8e: {  	[smem:$0x3FBC] =	sst s2  }
0x8f: {  	_ = 	snop  }
0x90: {  	s2 =	sld [smem:$0x3FD0]  }
0x91: {  	s15 =	sld [smem:$0x3FC1]  }
0x92: {  	s4 =	sld [smem:$0x3FBF]  }
0x93: {  	s6 =	simm.s32 $0xA;
	s7 =	simm.s32 $0x10;
	s5 =	sld [smem:$0x3FBE]  }
0x94: {  	[smem:s7], [sflag:s6] =	dma.local [hbm:s2], $0x1  }
0x95: {  	_ =	swait.eq [sflag:s6], $0x1  }
0x96: {  	[sflag:s6] =	ssyncset.done $0x0  }
0x97: {  	s16 =	sld [smem:$0x10];
	[sflag:s6] =	ssyncadd.s32 $0xFFFFFFFF  }
0x98: {  	s17 =	sld [smem:$0x11];
	(tm) =	ssettm $0x1  }
0x99: {  	s18 =	sld [smem:$0x3FFB];
	_ =	sdelay $0x3  }
0x9a: {  	_ =	strace s18  }
0x9b: {  	s7 =	sld [smem:$0x3FFC];
	_ =	sdelay $0x3  }
0x9c: {  	_ =	strace s7  }
0x9d: {  	s7 =	sld [smem:$0x3FFD];
	_ =	sdelay $0x3  }
0x9e: {  	_ =	strace s7  }
0x9f: {  	_ =	strace $0x8FFFFFFF  }
0xa0: {  	s19 =	sld [smem:$0x3FDB];
	_ =	sdelay $0x1  }
0xa1: {  	s8 =	simm.s32 $_scs_section_size  }
0xa2: {  	s9 =	simm.s32 $_size__tile_overlayer_lowered;
	s10 =	simm.s32 $_tile_overlayer_lowered  }
0xa3: {  	s22 =	simm.s32 $0x1BFF;
	s21 =	sshll.u32 s10, $0x1;
	s7 =	sadd.s32 s8, s19  }
0xa4: {  	s11 =	simm.s32 $0x0;
	s20 =	sshll.u32 s9, $0x1;
	s9 =	sadd.s32 s21, s7  }
0xa5: {  	[timem:s11], [sflag:s22] =	dma.local [hbm:s9], s20  }
0xa6: {  	_ =	swait.ge [sflag:s22], s20  }
0xa7: {  	s8 =	ssub.s32 $0x0, s20;
	[sflag:s22] =	ssyncset.done $0x0  }
0xa8: {  	[sflag:s22] =	ssyncadd.s32 s8;
	_ =	sdelay $0x1  }
0xa9: {  	s23 =	simm.s32 $0x1B8B  }
0xaa: {  	_ =	swait.ge [sflag:s23], $0x1  }
0xab: {  	[sflag:s23] =	ssyncset.done $0x0  }
0xac: {  	s25 =	simm.s32 $0x1B8E;
	s24 =	sld [smem:$0x3FFE];
	[sflag:s23] =	ssyncadd.s32 $0xFFFFFFFF  }
0xad: {  	s26 =	simm.s32 $execute0_lowered;
	[smem:$0x3FD2] =	sst s25  }
0xae: {  	s9 =	sshll.u32 s26, $0x1;
	_ =	strace $0x80000046;
	[dreg:$0x1] =	wrdreg $0xFFFFFFFF  }
0xaf: {  	s28 =	simm.s32 $_size_execute0_lowered;
	s7 =	sadd.s32 s7, s9;
	[dreg:$0x0] =	wrdreg $0x0  }
0xb0: {  	s9 =	sshll.u32 s28, $0x1;
	[dreg:$0x2] =	wrdreg s7  }
0xb1: {  	[dreg:$0x3] =	wrdreg s9  }
0xb2: {  	[dreg:$0x4] =	wrdreg $0xC0  }
0xb3: {  	_ =	task [dreg:s11], $0x5FFFF  }
0xb4: {  	[dreg:$0x1] =	wrdreg $0xFFFFFFFF  }
0xb5: {  	[dreg:$0x0] =	wrdreg $0x60  }
0xb6: {  	[dreg:$0x2] =	wrdreg s15  }
0xb7: {  	[dreg:$0x3] =	wrdreg s4  }
0xb8: {  	[dreg:$0x4] =	wrdreg s5  }
0xb9: {  	[dreg:$0x5] =	wrdreg s24  }
0xba: {  	[dreg:$0x6] =	wrdreg s16  }
0xbb: {  	[dreg:$0x7] =	wrdreg s17  }
0xbc: {  	[dreg:$0x8] =	wrdreg $0x9  }
0xbd: {  	_ =	task.clear_ibuf [dreg:s11], $0x9FFFF;
	_ =	strace $0x90000046  }
0xbe: {  	s29 =	simm.s32 $0x9;
	_ =	strace $0x80000048  }
0xbf: {  	_ =	swait.ge [sflag:s29], $0x1  }
0xc0: {  	[sflag:s29] =	ssyncadd.s32 $0xFFFFFFFF  }
0xc1: {  	_ =	strace $0x90000048  }
0xc2: {  	_ =	sfence  }
0xc3: {  	s30 =	sld [smem:$0x0];
	_ =	sdelay $0x2  }
0xc4: {  	s31 =	sshll.u32 s1, $0xD;
	s1 =	sshrl.u32 s1, $0x2  }
0xc5: {  	s3 =	sand.u32 $0x4000, s31;
	s1 =	sadd.s32 s1, s30  }
0xc6: {  	s0 =	sor.u32 s3, s0;
	s1 =	sshll.u32 s1, $0x11  }
0xc7: {  	s0 =	sor.u32 s1, s0  }
0xc8: {  	s0 =	sadd.s32 $0x8F2B, s0  }
0xc9: {  	[sflag:s0] =	ssyncadd.remote.s32 $0x1  }
0xca: {  	_ =	sfence.sel $0xFFFF  }
0xcb: {  	[dreg:$0x0] =	wrdreg $0xFFFFFFFF;
	(pc) =	sbr.abs _section_cstart, $3  }
0xcc: {  	[dreg:$0x1] =	wrdreg $0xFFFFFFFF  }
0xcd: {  	_ =	task.clear_ibuf [dreg:s11], $0x2FFFF;
	_ =	strace $0x9FFFFFFF  }
0xce: {  	(tm) =	ssettm $0x7FFFFFFF  }
0xcf: {  	_ =	shalt  }
tec
execute0_lowered:
.L_overlay_start_1:
0x0: {  	(tag) =	ssettag $0x1  }
0x1: {  	s3 =	rddreg [dreg:$0x0]  }
0x2: {  	s4 =	rddreg [dreg:$0x1]  }
0x3: {  	s6 =	rddreg [dreg:$0x2]  }
0x4: {  	s13 =	rddreg [dreg:$0x3]  }
0x5: {  	s14 =	rddreg [dreg:$0x4]  }
0x6: {  	s11 =	rddreg [dreg:$0x5];
	s2 =	srdreg.scid  }
0x7: {  	s0 =	rddreg [dreg:$0x6];
	s1 =	stileid.u32;
	s10 =	sand.u32 $0x1, s2  }
0x8: {  	s2 =	simm.s32 $0x0;
	s5 =	sshll.u32 s1, $0x5;
	s7 =	sshll.u32 s10, $0x4  }
0x9: {  	[smem:$0x7FF] =	sst s2;
	s17 =	sor.u32 s7, s5  }
0xa: {  	_ =	strace $0x80000047;
	s5 =	sadd.s32 s4, s17;
	s4 =	simm.s32 $0x2  }
0xb: {  	[tilespmem:s2], [sflag:$0x2] =	stream.linear.gather [hbm4b:s5+s2], $0x80, $0x38;
	[tilespmem:$0x300] =	vst v63  }
0xc: {  	_ =	swait.ge [sflag:s4], $0x80  }
0xd: {  	[sflag:s4] =	ssyncset.done $0x0  }
0xe: {  	s8 =	sadd.s32 s6, s17;
	s6 =	simm.s32 $0x80;
	[sflag:s4] =	ssyncadd.s32 $0xFFFFFF80  }
0xf: {  	[tilespmem:s6], [sflag:$0x2] =	stream.linear.gather [hbm4b:s8+s2], $0x80, $0x38;
	[tilespmem:$0x300] =	vst v63  }
0x10: {  	_ =	swait.ge [sflag:s4], $0x80  }
0x11: {  	[sflag:s4] =	ssyncset.done $0x0  }
0x12: {  	s9 =	simm.s32 $0x100;
	s7 =	simm.s32 $0x1;
	[sflag:s4] =	ssyncadd.s32 $0xFFFFFF80  }
0x13: {  	[tilespmem:s9], [sflag:$0x1] =	stream.indirect.gather [hbm4b:s3+s6], $0x1, s2, s6, $0xb8;
	[tilespmem:$0x300] =	vst v63  }
0x14: {  	_ =	swait.ge [sflag:s7], $0x80  }
0x15: {  	[sflag:s7] =	ssyncset.done $0x0  }
0x16: {  	[sflag:s7] =	ssyncadd.s32 $0xFFFFFF80  }
0x17: {  	v0 =	vld [tilespmem:$0xE0]  }
0x18: {  	v2 =	vld [tilespmem:$0xB0]  }
0x19: {  	v3 =	vld [tilespmem:$0x160]  }
0x1a: {  	v4 =	vld [tilespmem:$0xA0]  }
0x1b: {  	v5 =	vld [tilespmem:$0x90]  }
0x1c: {  	v6 =	vld [tilespmem:$0xD0]  }
0x1d: {  	v7 =	vld [tilespmem:$0x130]  }
0x1e: {  	v8 =	vld [tilespmem:$0x120]  }
0x1f: {  	v9 =	vld [tilespmem:$0xF0]  }
0x20: {  	v12 =	vld [tilespmem:$0x150]  }
0x21: {  	v10 =	vld [tilespmem:$0x170]  }
0x22: {  	v11 =	vld [tilespmem:$0x110]  }
0x23: {  	v56 =	vld [tilespmem:$0x100];
	v3 =	vshll.u32 v3, $0x5  }
0x24: {  	s10 =	ssub.s32 $0x2, s10;
	v57 =	vld [tilespmem:$0x80];
	v53 =	vshll.u32 v7, $0x5;
	v0 =	vadd.s32 v0, v3  }
0x25: {  	s15 =	sshrl.u32 s10, $0x1;
	v54 =	vld [tilespmem:$0x140];
	v60 =	vshll.u32 v12, $0x5;
	v2 =	vadd.s32 v2, v53;
	[tilespmem:$0x1E0] =	vst v0  }
0x26: {  	s10 =	ssub.s32 s10, s15;
	v1 =	vld [tilespmem:$0xC0];
	v55 =	vshll.u32 v8, $0x5;
	v62 =	vadd.s32 v6, v60;
	[tilespmem:$0x1B0] =	vst v2  }
0x27: {  	s18 =	smax.u32 s10, $0x1;
	v58 =	vshll.u32 v10, $0x5;
	v0 =	vadd.s32 v4, v55;
	[tilespmem:$0x1D0] =	vst v62  }
0x28: {  	p0 =	sne.s32 s18, $0x1;
	v3 =	vshll.u32 v56, $0x5;
	v4 =	vadd.s32 v9, v58;
	[tilespmem:$0x1A0] =	vst v0  }
.Ltmp0:
0x29: {  	v59 =	vshll.u32 v11, $0x5;
	v63 =	vadd.s32 v57, v3;
	[tilespmem:$0x1F0] =	vst v4;
	(pc) =	sbr.rel @!p0 .LBB2_2-.Ltmp0, $4  }
0x2a: {  	s16 =	simm.s32 $0x180;
	s12 =	sadd.s32 $0x41600, s13;
	v61 =	vshll.u32 v54, $0x5;
	v0 =	vadd.s32 v5, v59;
	[tilespmem:$0x180] =	vst v63  }
0x2b: {  	s15 =	sadd.s32 $0x1600, s13;
	s14 =	sadd.s32 s14, s17;
	s11 =	sadd.s32 s11, s17;
	[tilespmem:$0x190] =	vst v0;
	v0 =	vadd.s32 v1, v61  }
0x2c: {  	s13 =	simm.s32 $0x280;
	s10 =	simm.s32 $0x200;
	s17 =	sadd.s32 $0xFFFFFFFF, s18;
	[tilespmem:$0x1C0] =	vst v0  }
0x2d: {  	[tilespmem:s10], [sflag:$0x1] =	stream.indirect.gather [hbm4b:s12+s6], $0x1, s16, s6, $0xb8;
	[tilespmem:$0x300] =	vst v63  }
.LBB2_1:
0x2e: {  	p0 =	sne.s32 s17, $0x1;
	s17 =	sadd.s32 $0xFFFFFFFF, s17;
	_ =	swait.ge [sflag:s7], $0x80  }
0x2f: {  	[sflag:s7] =	ssyncset.done $0x0  }
0x30: {  	[sflag:s7] =	ssyncadd.s32 $0xFFFFFF80  }
0x31: {  	[tilespmem:s13], [sflag:$0x1] =	stream.indirect.gather [hbm4b:s15+s6], $0x1, s9, s6, $0xb8;
	[tilespmem:$0x300] =	vst v63  }
0x32: {  	_ =	swait.ge [sflag:s7], $0x80  }
0x33: {  	[sflag:s7] =	ssyncset.done $0x0  }
0x34: {  	[sflag:s7] =	ssyncadd.s32 $0xFFFFFF80  }
0x35: {  	[hbm4b:s14+s2] =	stream.linear.scatter [tilespmem:s10], [sflag:$0x2], $0x80, $0x38;
	[tilespmem:$0x300] =	vst v63  }
0x36: {  	_ =	swait.ge [sflag:s4], $0x80  }
0x37: {  	[sflag:s4] =	ssyncset.done $0x0  }
0x38: {  	[sflag:s4] =	ssyncadd.s32 $0xFFFFFF80  }
0x39: {  	[hbm4b:s11+s2] =	stream.linear.scatter [tilespmem:s13], [sflag:$0x2], $0x80, $0x38;
	[tilespmem:$0x300] =	vst v63  }
0x3a: {  	_ =	swait.ge [sflag:s4], $0x80  }
0x3b: {  	[sflag:s4] =	ssyncset.done $0x0  }
0x3c: {  	[sflag:s4] =	ssyncadd.s32 $0xFFFFFF80  }
0x3d: {  	[tilespmem:s2], [sflag:$0x2] =	stream.linear.gather [hbm4b:s5+s2], $0x80, $0x38;
	[tilespmem:$0x300] =	vst v63  }
0x3e: {  	_ =	swait.ge [sflag:s4], $0x80  }
0x3f: {  	[sflag:s4] =	ssyncset.done $0x0  }
0x40: {  	[sflag:s4] =	ssyncadd.s32 $0xFFFFFF80  }
0x41: {  	[tilespmem:s6], [sflag:$0x2] =	stream.linear.gather [hbm4b:s8+s2], $0x80, $0x38;
	[tilespmem:$0x300] =	vst v63  }
0x42: {  	_ =	swait.ge [sflag:s4], $0x80  }
0x43: {  	[sflag:s4] =	ssyncset.done $0x0  }
0x44: {  	[sflag:s4] =	ssyncadd.s32 $0xFFFFFF80  }
0x45: {  	[tilespmem:s9], [sflag:$0x1] =	stream.indirect.gather [hbm4b:s3+s6], $0x1, s2, s6, $0xb8;
	[tilespmem:$0x300] =	vst v63  }
0x46: {  	_ =	swait.ge [sflag:s7], $0x80  }
0x47: {  	[sflag:s7] =	ssyncset.done $0x0  }
0x48: {  	[sflag:s7] =	ssyncadd.s32 $0xFFFFFF80  }
0x49: {  	v0 =	vld [tilespmem:$0xE0]  }
0x4a: {  	v1 =	vld [tilespmem:$0xC0]  }
0x4b: {  	v2 =	vld [tilespmem:$0xB0]  }
0x4c: {  	v3 =	vld [tilespmem:$0x160]  }
0x4d: {  	v4 =	vld [tilespmem:$0xA0]  }
0x4e: {  	v5 =	vld [tilespmem:$0x90]  }
0x4f: {  	v6 =	vld [tilespmem:$0xD0]  }
0x50: {  	v7 =	vld [tilespmem:$0x130]  }
0x51: {  	v8 =	vld [tilespmem:$0x120];
	v3 =	vshll.u32 v3, $0x5  }
0x52: {  	v0 =	vadd.s32 v0, v3;
	v3 =	vld [tilespmem:$0xF0]  }
0x53: {  	[tilespmem:$0x1E0] =	vst v0;
	v0 =	vld [tilespmem:$0x170]  }
0x54: {  	v9 =	vld [tilespmem:$0x110]  }
0x55: {  	v7 =	vshll.u32 v7, $0x5;
	v10 =	vld [tilespmem:$0x150]  }
0x56: {  	v8 =	vshll.u32 v8, $0x5;
	v2 =	vadd.s32 v2, v7;
	v7 =	vld [tilespmem:$0x140]  }
0x57: {  	v11 =	vld [tilespmem:$0x100];
	v4 =	vadd.s32 v4, v8;
	[tilespmem:$0x1B0] =	vst v2  }
0x58: {  	v2 =	vld [tilespmem:$0x80];
	[tilespmem:$0x1A0] =	vst v4;
	v0 =	vshll.u32 v0, $0x5  }
0x59: {  	v4 =	vshll.u32 v9, $0x5;
	v0 =	vadd.s32 v3, v0  }
0x5a: {  	v3 =	vadd.s32 v5, v4;
	v4 =	vshll.u32 v10, $0x5;
	[tilespmem:$0x1F0] =	vst v0  }
.Ltmp1:
0x5b: {  	[tilespmem:$0x190] =	vst v3;
	v0 =	vshll.u32 v7, $0x5;
	v3 =	vadd.s32 v6, v4;
	(pc) =	sbr.rel @p0 .LBB2_1-.Ltmp1, $4  }
0x5c: {  	v4 =	vshll.u32 v11, $0x5;
	v0 =	vadd.s32 v1, v0;
	[tilespmem:$0x1D0] =	vst v3  }
0x5d: {  	v1 =	vadd.s32 v2, v4;
	[tilespmem:$0x1C0] =	vst v0  }
0x5e: {  	[tilespmem:$0x180] =	vst v1  }
0x5f: {  	[tilespmem:s10], [sflag:$0x1] =	stream.indirect.gather [hbm4b:s12+s6], $0x1, s16, s6, $0xb8;
	[tilespmem:$0x300] =	vst v63  }
.LBB2_2:
0x60: {  	_ =	swait.ge [sflag:s7], $0x80  }
0x61: {  	[sflag:s7] =	ssyncset.done $0x0  }
0x62: {  	[sflag:s7] =	ssyncadd.s32 $0xFFFFFF80  }
0x63: {  	[tilespmem:s13], [sflag:$0x1] =	stream.indirect.gather [hbm4b:s15+s6], $0x1, s9, s6, $0xb8;
	[tilespmem:$0x300] =	vst v63  }
0x64: {  	_ =	swait.ge [sflag:s7], $0x80  }
0x65: {  	[sflag:s7] =	ssyncset.done $0x0  }
0x66: {  	[sflag:s7] =	ssyncadd.s32 $0xFFFFFF80  }
0x67: {  	[hbm4b:s14+s2] =	stream.linear.scatter [tilespmem:s10], [sflag:$0x2], $0x80, $0x38;
	[tilespmem:$0x300] =	vst v63  }
0x68: {  	_ =	swait.ge [sflag:s4], $0x80  }
0x69: {  	[sflag:s4] =	ssyncset.done $0x0  }
0x6a: {  	[sflag:s4] =	ssyncadd.s32 $0xFFFFFF80  }
0x6b: {  	[hbm4b:s11+s2] =	stream.linear.scatter [tilespmem:s13], [sflag:$0x2], $0x80, $0x38;
	[tilespmem:$0x300] =	vst v63  }
0x6c: {  	_ =	swait.ge [sflag:s4], $0x80  }
0x6d: {  	[sflag:s4] =	ssyncset.done $0x0  }
0x6e: {  	[sflag:s4] =	ssyncadd.s32 $0xFFFFFF80  }
0x6f: {  	_ =	sfence.sel $0x180000  }
0x70: {  	[bflag:$0x0] =	sbarrier.arrive $0xFFFF  }
0x71: {  	p0 =	sne.s32 s1, $0x0;
	_ =	strace $0x90000047  }
0x72: {  	s0 =	sadd.s32 @!p0 $0x100000, s0;
	[bflag:$0x2] =	sbarrier.arrive $0xFFFF  }
0x73: {  	[sflag:s0] =	ssyncadd.tile.s32 @!p0 $0x1;
	_ =	shalt  }
.Lfunc_end2:
_tile_overlayer_lowered:
.L_overlay_start_2:
0x74: {  	(tag) =	ssettag $0x2  }
0x75: {  	s0 =	rddreg [dreg:$0x0];
	s2 =	stileid.u32  }
0x76: {  	s1 =	rddreg [dreg:$0x1];
	p0 =	sne.s32 s2, $0x0  }
0x77: {  	s3 =	rddreg [dreg:$0x2];
	[bflag:$0x3] =	sbarrier.arrive $0xFFFF;
	s2 =	simm.s32 @!p0 $0x1C02  }
0x78: {  	[timem:s3], [sflag:s2] =	dma.local @!p0 [hbm:s0], s1  }
0x79: {  	s0 =	simm.s32 @!p0 $0x2  }
0x7a: {  	_ =	swait.ge @!p0 [sflag:s0], s1  }
0x7b: {  	s1 =	ssub.s32 @!p0 $0x0, s1;
	[sflag:s0] =	ssyncset.done @!p0 $0x0  }
0x7c: {  	[sflag:s0] =	ssyncadd.s32 @!p0 s1  }
0x7d: {  	[bflag:$0x3] =	sbarrier.arrive $0xFFFF  }
0x7e: {  	_ =	shalt  }

</sc_bundles>
